<compile_context>
chip_gen: v7x
topology: tpu7x:2x2x1
jax: 0.10.2.dev20260603
libtpu: 0.0.44.dev20260713+nightly
codegen_flags: <defaults>
</compile_context>

<pallas_src>
import jax
import jax.numpy as jnp
from jax.experimental import pallas as pl
from jax.experimental.pallas import tpu as pltpu
from jax.experimental.pallas import tpu_sc as plsc

TEMPERATURE = 0.2
THR = 0.5
NB = 8
SPLIT = 32
ZROWS = 8
N_SUB = 32


def _sc_fill_zeros(canvas_shape, dtype, first_row):
    vector_mesh = plsc.VectorSubcoreMesh(
        core_axis_name="core", subcore_axis_name="subcore"
    )
    rows, cols = canvas_shape
    fill_rows = rows - first_row
    rows_per = fill_rows // N_SUB
    n_dma = rows_per // ZROWS

    @pl.kernel(
        out_type=jax.ShapeDtypeStruct(canvas_shape, dtype),
        mesh=vector_mesh,
        scratch_types=[
            pltpu.VMEM((ZROWS, cols), dtype),
            pltpu.SemaphoreType.DMA,
        ],
    )
    def sc_kernel(o_hbm, zbuf, sem):
        core = jax.lax.axis_index("core")
        sub = jax.lax.axis_index("subcore")
        sid = core * 16 + sub
        row0 = first_row + sid * rows_per

        @pl.loop(0, ZROWS)
        def _(r):
            @pl.loop(0, cols, step=16)
            def _(c):
                zbuf.at[pl.ds(r, 1), pl.ds(c, 16)][...] = jnp.zeros(
                    (1, 16), dtype
                )

        @pl.loop(0, n_dma)
        def _(i):
            pltpu.async_copy(
                zbuf, o_hbm.at[pl.ds(row0 + ZROWS * i, ZROWS), :], sem
            )

        @pl.loop(0, n_dma)
        def _(i):
            pltpu.make_async_copy(
                zbuf, o_hbm.at[pl.ds(row0, ZROWS), :], sem
            ).wait()

    return sc_kernel()


def _reduce_body(x_ref, idx_ref, w_ref, wrow_ref):
    x = x_ref[...]
    nb, K, L = x.shape
    s = x > THR
    t_iota = jax.lax.broadcasted_iota(jnp.int32, (nb, K, L), 2)
    t_first = jnp.min(jnp.where(s, t_iota, L), axis=2, keepdims=True)
    total = jnp.sum(x, axis=2, keepdims=True)

    k_iota = jax.lax.broadcasted_iota(jnp.int32, (nb, K, 1), 1)
    t_star = jnp.min(t_first, axis=1, keepdims=True)
    k_star = jnp.min(
        jnp.where(t_first == t_star, k_iota, K), axis=1, keepdims=True
    )
    k_fb = jnp.min(
        jnp.where(total == jnp.max(total, axis=1, keepdims=True), k_iota, K),
        axis=1,
        keepdims=True,
    )
    idx = jnp.where(t_star < L, k_star, k_fb)

    w_hard = (k_iota == idx).astype(x.dtype)
    r = -t_first.astype(x.dtype) / TEMPERATURE
    m = jnp.max(r, axis=1, keepdims=True)
    e = jnp.exp(r - m)
    w_sur = e / jnp.sum(e, axis=1, keepdims=True)
    w = w_hard - w_sur + w_sur

    idx_ref[...] = idx
    w_ref[...] = w
    wrow_ref[...] = jnp.sum(x * w, axis=1, keepdims=True)


def _finish_a_body(idx_sp, canvas_ref, wrow_ref, out_ref):
    del canvas_ref
    b = pl.program_id(0)
    K, L = out_ref.shape
    k = idx_sp[b]
    k_iota = jax.lax.broadcasted_iota(jnp.int32, (K, L), 0)
    row = wrow_ref[0]
    out_ref[...] = jnp.where(k_iota == k, row, jnp.zeros_like(row))


def _finish_b_body(idx_sp, wrow_ref, slab_ref, out_ref):
    b = pl.program_id(0)
    R, L = out_ref.shape
    k = idx_sp[b + SPLIT]
    sub = k % R
    s_iota = jax.lax.broadcasted_iota(jnp.int32, (R, L), 0)
    row = wrow_ref[0]
    out_ref[...] = jnp.where(s_iota == sub, row, slab_ref[...])


@jax.jit
def kernel(spikes):
    B, L, K = spikes.shape
    xt = jnp.transpose(spikes, (0, 2, 1))

    idx3, w3, wrows = pl.pallas_call(
        _reduce_body,
        grid=(B // NB,),
        in_specs=[pl.BlockSpec((NB, K, L), lambda b: (b, 0, 0))],
        out_specs=[
            pl.BlockSpec((NB, 1, 1), lambda b: (b, 0, 0)),
            pl.BlockSpec((NB, K, 1), lambda b: (b, 0, 0)),
            pl.BlockSpec((NB, 1, L), lambda b: (b, 0, 0)),
        ],
        out_shape=[
            jax.ShapeDtypeStruct((B, 1, 1), jnp.int32),
            jax.ShapeDtypeStruct((B, K, 1), spikes.dtype),
            jax.ShapeDtypeStruct((B, 1, L), spikes.dtype),
        ],
        compiler_params=pltpu.CompilerParams(
            dimension_semantics=("parallel",),
        ),
    )(xt)
    idx = idx3[:, 0, 0]

    canvas = _sc_fill_zeros((B * K, L), spikes.dtype, SPLIT * K)

    canvas = pl.pallas_call(
        _finish_a_body,
        grid_spec=pltpu.PrefetchScalarGridSpec(
            num_scalar_prefetch=1,
            grid=(SPLIT,),
            in_specs=[
                pl.BlockSpec(memory_space=pl.ANY),
                pl.BlockSpec((1, 1, L), lambda b, idx_ref: (b, 0, 0)),
            ],
            out_specs=pl.BlockSpec((K, L), lambda b, idx_ref: (b, 0)),
        ),
        out_shape=jax.ShapeDtypeStruct((B * K, L), spikes.dtype),
        input_output_aliases={1: 0},
        compiler_params=pltpu.CompilerParams(
            dimension_semantics=("arbitrary",),
        ),
    )(idx, canvas, wrows)

    canvas = pl.pallas_call(
        _finish_b_body,
        grid_spec=pltpu.PrefetchScalarGridSpec(
            num_scalar_prefetch=1,
            grid=(B - SPLIT,),
            in_specs=[
                pl.BlockSpec((1, 1, L), lambda b, idx_ref: (b + SPLIT, 0, 0)),
                pl.BlockSpec(
                    (8, L),
                    lambda b, idx_ref: (
                        ((b + SPLIT) * 64 + idx_ref[b + SPLIT]) // 8,
                        0,
                    ),
                ),
            ],
            out_specs=pl.BlockSpec(
                (8, L),
                lambda b, idx_ref: (
                    ((b + SPLIT) * 64 + idx_ref[b + SPLIT]) // 8,
                    0,
                ),
            ),
        ),
        out_shape=jax.ShapeDtypeStruct((B * K, L), spikes.dtype),
        input_output_aliases={2: 0},
        compiler_params=pltpu.CompilerParams(
            dimension_semantics=("arbitrary",),
        ),
    )(idx, wrows, canvas)

    gated = jnp.transpose(canvas.reshape(B, K, L), (0, 2, 1))
    return idx, w3[:, :, 0], gated

# --- scband reference (transcript-rebuilt; emitter-appended) ---
"""Pipeline reference for scband-minimal-first-spike-wta-17059610100027 (READ-ONLY COPY).

The authoritative reference and input builder live on the scoring server;
editing this copy changes nothing except your own understanding.
"""

import jax, jax.numpy as jnp
import numpy as np

TEMPERATURE = 0.2
THR = 0.5


def setup_inputs(seed: int = 0) -> dict:
    key = jax.random.key(seed)
    spikes = jax.random.uniform(key, (64, 4096, 64), dtype=jnp.float32)
    return {"spikes": spikes}


def reference(spikes):
    B, L, K = spikes.shape
    dtype = spikes.dtype
    s = spikes > THR
    any_t = jnp.any(s, axis=2)
    has_any = jnp.any(any_t, axis=1)
    t_star = jnp.argmax(any_t.astype(jnp.float32), axis=1)
    s_at_t = s[jnp.arange(B), t_star, :]
    k_star = jnp.argmax(s_at_t.astype(jnp.float32), axis=1)
    total = spikes.sum(axis=1)
    k_fallback = jnp.argmax(total, axis=1)
    idx = jnp.where(has_any, k_star, k_fallback)
    w_hard = jax.nn.one_hot(idx, K, dtype=dtype)
    any_k = jnp.any(s, axis=1)
    c = jnp.cumsum(s.astype(jnp.int32), axis=1)
    first_mask = (c == 1) & s
    t_first = jnp.argmax(first_mask.astype(jnp.float32), axis=1)
    t_first = jnp.where(any_k, t_first, jnp.full_like(t_first, L))
    r = -t_first.astype(dtype)
    w_sur = jax.nn.softmax(r / TEMPERATURE, axis=-1)
    w = jax.lax.stop_gradient(w_hard) - jax.lax.stop_gradient(w_sur) + w_sur
    spikes_gated = spikes * w[:, None, :]
    return (idx, w, spikes_gated)

if __name__ == "__main__":
    import jax
    _d = setup_inputs()
    print(jax.jit(kernel)(*tuple(_d.values())))

</pallas_src>

<mosaic_0001>
#map = affine_map<(d0, d1) -> (0, 0)>
module attributes {stable_mosaic.version = 14 : i64} {
  func.func @sc_kernel(%arg0: i32, %arg1: i32, %arg2: memref<4096x4096xf32, #tpu.memory_space<hbm>>, %arg3: memref<8x4096xf32, #tpu.memory_space<vmem>>, %arg4: memref<!tpu.dma_semaphore, #tpu.memory_space<semaphore_mem>>) attributes {dimension_semantics = [#tpu.dimension_semantics<core_parallel>, #tpu.dimension_semantics<subcore_parallel>], iteration_bounds = array<i64: 2, 16>, scalar_prefetch = 0 : i64, scratch_operands = 2 : i64, tpu.core_type = #tpu.core_type<sc_vector_subcore>, window_params = [{transform_indices = #map}]} {
    %mul3A = arith.constant 16 : i32
    %mul3A_0 = arith.muli %arg0, %mul3A : i32
    %add3A = arith.addi %mul3A_0, %arg1 : i32
    %mul3A_1 = arith.constant 64 : i32
    %mul3A_2 = arith.muli %add3A, %mul3A_1 : i32
    %add3A_3 = arith.constant 2048 : i32
    %add3A_4 = arith.addi %add3A_3, %mul3A_2 : i32
    %scan3A = arith.constant 0 : i32
    %scan3A_5 = arith.constant 8 : i32
    %scan3A_6 = arith.addi %scan3A, %scan3A_5 : i32
    %scan3A_7 = arith.constant 1 : i32
    scf.for %scan3A_19 = %scan3A to %scan3A_6 step %scan3A_7  : i32 {
      %mul3A_20 = arith.constant 1 : i32
      %mul3A_21 = arith.muli %scan3A_19, %mul3A_20 : i32
      %add3A_22 = arith.constant 0 : i32
      %add3A_23 = arith.addi %add3A_22, %mul3A_21 : i32
      %scan3A_24 = arith.constant 0 : i32
      %scan3A_25 = arith.constant 256 : i32
      %scan3A_26 = arith.addi %scan3A_24, %scan3A_25 : i32
      %scan3A_27 = arith.constant 1 : i32
      scf.for %scan3A_29 = %scan3A_24 to %scan3A_26 step %scan3A_27  : i32 {
        %mul3A_30 = arith.constant 16 : i32
        %mul3A_31 = arith.muli %scan3A_29, %mul3A_30 : i32
        %add3A_32 = arith.constant 0 : i32
        %add3A_33 = arith.addi %add3A_32, %mul3A_31 : i32
        %broadcast_in_dim3A = arith.constant 0.000000e+00 : f32
        %broadcast_in_dim3A_34 = vector.broadcast %broadcast_in_dim3A : f32 to vector<1x16xf32>
        %swap3A = arith.index_cast %add3A_23 : i32 to index
        %swap3A_35 = arith.index_cast %add3A_33 : i32 to index
        %swap3A_36 = tpu.vector_load %arg3[%swap3A, %swap3A_35] {strides = array<i32>} : memref<8x4096xf32, #tpu.memory_space<vmem>>, vector<1x16xf32>,
        %swap3A_37 = vector.shape_cast %swap3A_36 : vector<1x16xf32> to vector<1x16xf32>
        %swap3A_38 = vector.shape_cast %broadcast_in_dim3A_34 : vector<1x16xf32> to vector<1x16xf32>
        tpu.vector_store %arg3[%swap3A, %swap3A_35], %swap3A_38 {strides = array<i32>} : memref<8x4096xf32, #tpu.memory_space<vmem>>, vector<1x16xf32>,
      }
      %scan3A_28 = arith.constant 256 : i32
    }
    %scan3A_8 = arith.constant 8 : i32
    %scan3A_9 = arith.constant 0 : i32
    %scan3A_10 = arith.constant 8 : i32
    %scan3A_11 = arith.addi %scan3A_9, %scan3A_10 : i32
    %scan3A_12 = arith.constant 1 : i32
    scf.for %scan3A_19 = %scan3A_9 to %scan3A_11 step %scan3A_12  : i32 {
      %mul3A_20 = arith.constant 1 : i32
      %mul3A_21 = arith.muli %scan3A_19, %mul3A_20 : i32
      %add3A_22 = arith.constant 0 : i32
      %add3A_23 = arith.addi %add3A_22, %mul3A_21 : i32
      %mul3A_24 = arith.constant 8 : i32
      %mul3A_25 = arith.muli %mul3A_24, %add3A_23 : i32
      %add3A_26 = arith.addi %add3A_4, %mul3A_25 : i32
      %dma_start3A = arith.constant 0 : i32
      %dma_start3A_27 = tpu.memref_slice %arg2[%add3A_26, %dma_start3A] : memref<4096x4096xf32, #tpu.memory_space<hbm>> -> memref<8x4096xf32, #tpu.memory_space<hbm>>
      %dma_start3A_28 = arith.constant 0 : i32
      %dma_start3A_29 = tpu.memref_slice %arg2[%add3A_26, %dma_start3A_28] : memref<4096x4096xf32, #tpu.memory_space<hbm>> -> memref<8x4096xf32, #tpu.memory_space<hbm>>
      tpu.enqueue_dma source(%arg3 : memref<8x4096xf32, #tpu.memory_space<vmem>>) target(%dma_start3A_29 : memref<8x4096xf32, #tpu.memory_space<hbm>>) target_semaphore(%arg4 : memref<!tpu.dma_semaphore, #tpu.memory_space<semaphore_mem>>)
    }
    %scan3A_13 = arith.constant 8 : i32
    %scan3A_14 = arith.constant 0 : i32
    %scan3A_15 = arith.constant 8 : i32
    %scan3A_16 = arith.addi %scan3A_14, %scan3A_15 : i32
    %scan3A_17 = arith.constant 1 : i32
    scf.for %scan3A_19 = %scan3A_14 to %scan3A_16 step %scan3A_17  : i32 {
      %mul3A_20 = arith.constant 1 : i32
      %mul3A_21 = arith.muli %scan3A_19, %mul3A_20 : i32
      %add3A_22 = arith.constant 0 : i32
      %add3A_23 = arith.addi %add3A_22, %mul3A_21 : i32
      %dma_wait3A = arith.constant 0 : i32
      %dma_wait3A_24 = tpu.memref_slice %arg2[%add3A_4, %dma_wait3A] : memref<4096x4096xf32, #tpu.memory_space<hbm>> -> memref<8x4096xf32, #tpu.memory_space<hbm>>
      %dma_wait3A_25 = arith.constant 0 : i32
      %dma_wait3A_26 = tpu.memref_slice %arg2[%add3A_4, %dma_wait3A_25] : memref<4096x4096xf32, #tpu.memory_space<hbm>> -> memref<8x4096xf32, #tpu.memory_space<hbm>>
      tpu.wait_dma2 semaphore(%arg4 : memref<!tpu.dma_semaphore, #tpu.memory_space<semaphore_mem>>) src(%arg3 : memref<8x4096xf32, #tpu.memory_space<vmem>>) dst(%dma_wait3A_26 : memref<8x4096xf32, #tpu.memory_space<hbm>>)
    }
    %scan3A_18 = arith.constant 8 : i32
    return
  }
}

module attributes {stable_mosaic.version = 14 : i64} {
  func.func @_finish_a_body(%arg0: i32, %arg1: memref<64xi32, #tpu.memory_space<smem>>, %arg2: memref<4096x4096xf32, #tpu.memory_space<any>>, %arg3: memref<1x1x4096xf32, #tpu.memory_space<vmem>>, %arg4: memref<64x4096xf32, #tpu.memory_space<vmem>>) attributes {dimension_semantics = [#tpu.dimension_semantics<arbitrary>], iteration_bounds = array<i64: 32>, scalar_prefetch = 1 : i64, scratch_operands = 0 : i64, tpu.core_type = #tpu.core_type<tc>, window_params = [{}, {transform_indices = @transform_1, window_bounds = array<i64: 1, 1, 4096>}, {transform_indices = @transform_2, window_bounds = array<i64: 64, 4096>}]} {
    %get3A = arith.index_cast %arg0 : i32 to index
    %get3A_0 = memref.load %arg1[%get3A] : memref<64xi32, #tpu.memory_space<smem>>
    %iota3A = tpu.iota {dimensions = array<i32: 0>} : vector<64x4096xi32>
    %get3A_1 = arith.constant 0 : index
    %get3A_2 = arith.constant 0 : index
    %get3A_3 = arith.constant 0 : index
    %get3A_4 = vector.load %arg3[%get3A_1, %get3A_2, %get3A_3] : memref<1x1x4096xf32, #tpu.memory_space<vmem>>, vector<1x1x4096xf32>
    %get3A_5 = vector.shape_cast %get3A_4 : vector<1x1x4096xf32> to vector<1x4096xf32>
    %eq3A = vector.broadcast %get3A_0 : i32 to vector<64x4096xi32>
    %eq3A_6 = arith.cmpi eq, %iota3A, %eq3A : vector<64x4096xi32>
    %broadcast_in_dim3A = arith.constant 0.000000e+00 : f32
    %broadcast_in_dim3A_7 = vector.broadcast %broadcast_in_dim3A : f32 to vector<1x4096xf32>
    %broadcast_in_dim3A_8 = vector.shape_cast %get3A_5 : vector<1x4096xf32> to vector<1x4096xf32>
    %broadcast_in_dim3A_9 = vector.broadcast %broadcast_in_dim3A_8 : vector<1x4096xf32> to vector<64x4096xf32>
    %broadcast_in_dim3A_10 = vector.shape_cast %broadcast_in_dim3A_7 : vector<1x4096xf32> to vector<1x4096xf32>
    %broadcast_in_dim3A_11 = vector.broadcast %broadcast_in_dim3A_10 : vector<1x4096xf32> to vector<64x4096xf32>
    %select_n3A = arith.select %eq3A_6, %broadcast_in_dim3A_9, %broadcast_in_dim3A_11 : vector<64x4096xi1>, vector<64x4096xf32>
    %swap3A = arith.constant 0 : index
    %swap3A_12 = arith.constant 0 : index
    %swap3A_13 = vector.load %arg4[%swap3A, %swap3A_12] : memref<64x4096xf32, #tpu.memory_space<vmem>>, vector<64x4096xf32>
    tpu.vector_store %arg4[%swap3A, %swap3A_12], %select_n3A {strides = array<i32>} : memref<64x4096xf32, #tpu.memory_space<vmem>>, vector<64x4096xf32>,
    return
  }
  func.func @transform_1(%arg0: i32, %arg1: memref<64xi32, #tpu.memory_space<smem>>) -> (i32, i32, i32) {
    %c0_i32 = arith.constant 0 : i32
    %c0_i32_0 = arith.constant 0 : i32
    %c0_i32_1 = arith.constant 0 : i32
    return %arg0, %c0_i32, %c0_i32_0 : i32, i32, i32
  }
  func.func @transform_2(%arg0: i32, %arg1: memref<64xi32, #tpu.memory_space<smem>>) -> (i32, i32) {
    %c0_i32 = arith.constant 0 : i32
    %c0_i32_0 = arith.constant 0 : i32
    return %arg0, %c0_i32 : i32, i32
  }
}

module attributes {stable_mosaic.version = 14 : i64} {
  func.func @_reduce_body(%arg0: i32, %arg1: memref<8x64x4096xf32, #tpu.memory_space<vmem>>, %arg2: memref<8x1x1xi32, #tpu.memory_space<vmem>>, %arg3: memref<8x64x1xf32, #tpu.memory_space<vmem>>, %arg4: memref<8x1x4096xf32, #tpu.memory_space<vmem>>) attributes {dimension_semantics = [#tpu.dimension_semantics<parallel>], iteration_bounds = array<i64: 8>, scalar_prefetch = 0 : i64, scratch_operands = 0 : i64, tpu.core_type = #tpu.core_type<tc>, window_params = [{transform_indices = @transform_0, window_bounds = array<i64: 8, 64, 4096>}, {transform_indices = @transform_1, window_bounds = array<i64: 8, 1, 1>}, {transform_indices = @transform_2, window_bounds = array<i64: 8, 64, 1>}, {transform_indices = @transform_3, window_bounds = array<i64: 8, 1, 4096>}]} {
    %get3A = arith.constant 0 : index
    %get3A_0 = arith.constant 0 : index
    %get3A_1 = arith.constant 0 : index
    %get3A_2 = vector.load %arg1[%get3A, %get3A_0, %get3A_1] : memref<8x64x4096xf32, #tpu.memory_space<vmem>>, vector<8x64x4096xf32>
    %gt3A = arith.constant 5.000000e-01 : f32
    %gt3A_3 = vector.broadcast %gt3A : f32 to vector<8x64x4096xf32>
    %gt3A_4 = arith.cmpf ogt, %get3A_2, %gt3A_3 : vector<8x64x4096xf32>
    %iota3A = tpu.iota {dimensions = array<i32: 2>} : vector<8x64x4096xi32>
    %jit3A = arith.constant 4096 : i32
    %broadcast_in_dim3A = vector.broadcast %jit3A : i32 to vector<8x64x4096xi32>
    %select_n3A = arith.select %gt3A_4, %iota3A, %broadcast_in_dim3A : vector<8x64x4096xi1>, vector<8x64x4096xi32>
    %reduce_min3A = arith.constant dense<2147483647> : vector<8x64xi32>
    %reduce_min3A_5 = vector.multi_reduction <minsi>, %select_n3A, %reduce_min3A [2] : vector<8x64x4096xi32> to vector<8x64xi32>
    %broadcast_in_dim3A_6 = vector.shape_cast %reduce_min3A_5 : vector<8x64xi32> to vector<8x64x1xi32>
    %reduce_sum3A = arith.constant dense<0.000000e+00> : vector<8x64xf32>
    %reduce_sum3A_7 = vector.multi_reduction <add>, %get3A_2, %reduce_sum3A [2] : vector<8x64x4096xf32> to vector<8x64xf32>
    %broadcast_in_dim3A_8 = vector.shape_cast %reduce_sum3A_7 : vector<8x64xf32> to vector<8x64x1xf32>
    %iota3A_9 = tpu.iota {dimensions = array<i32: 1>} : vector<8x64x1xi32>
    %reduce_min3A_10 = arith.constant dense<2147483647> : vector<8x1xi32>
    %reduce_min3A_11 = vector.multi_reduction <minsi>, %broadcast_in_dim3A_6, %reduce_min3A_10 [1] : vector<8x64x1xi32> to vector<8x1xi32>
    %broadcast_in_dim3A_12 = vector.shape_cast %reduce_min3A_11 : vector<8x1xi32> to vector<8x1x1xi32>
    %eq3A = vector.broadcast %broadcast_in_dim3A_12 : vector<8x1x1xi32> to vector<8x64x1xi32>
    %eq3A_13 = arith.cmpi eq, %broadcast_in_dim3A_6, %eq3A : vector<8x64x1xi32>
    %jit3A_14 = arith.constant 64 : i32
    %broadcast_in_dim3A_15 = vector.broadcast %jit3A_14 : i32 to vector<8x64x1xi32>
    %select_n3A_16 = arith.select %eq3A_13, %iota3A_9, %broadcast_in_dim3A_15 : vector<8x64x1xi1>, vector<8x64x1xi32>
    %reduce_min3A_17 = arith.constant dense<2147483647> : vector<8x1xi32>
    %reduce_min3A_18 = vector.multi_reduction <minsi>, %select_n3A_16, %reduce_min3A_17 [1] : vector<8x64x1xi32> to vector<8x1xi32>
    %broadcast_in_dim3A_19 = vector.shape_cast %reduce_min3A_18 : vector<8x1xi32> to vector<8x1x1xi32>
    %reduce_max3A = arith.constant dense<0xFF800000> : vector<8x1xf32>
    %reduce_max3A_20 = vector.multi_reduction <maximumf>, %broadcast_in_dim3A_8, %reduce_max3A [1] : vector<8x64x1xf32> to vector<8x1xf32>
    %broadcast_in_dim3A_21 = vector.shape_cast %reduce_max3A_20 : vector<8x1xf32> to vector<8x1x1xf32>
    %eq3A_22 = vector.broadcast %broadcast_in_dim3A_21 : vector<8x1x1xf32> to vector<8x64x1xf32>
    %eq3A_23 = arith.cmpf oeq, %broadcast_in_dim3A_8, %eq3A_22 : vector<8x64x1xf32>
    %jit3A_24 = arith.constant 64 : i32
    %broadcast_in_dim3A_25 = vector.broadcast %jit3A_24 : i32 to vector<8x64x1xi32>
    %select_n3A_26 = arith.select %eq3A_23, %iota3A_9, %broadcast_in_dim3A_25 : vector<8x64x1xi1>, vector<8x64x1xi32>
    %reduce_min3A_27 = arith.constant dense<2147483647> : vector<8x1xi32>
    %reduce_min3A_28 = vector.multi_reduction <minsi>, %select_n3A_26, %reduce_min3A_27 [1] : vector<8x64x1xi32> to vector<8x1xi32>
    %broadcast_in_dim3A_29 = vector.shape_cast %reduce_min3A_28 : vector<8x1xi32> to vector<8x1x1xi32>
    %lt3A = arith.constant 4096 : i32
    %lt3A_30 = vector.broadcast %lt3A : i32 to vector<8x1x1xi32>
    %lt3A_31 = arith.cmpi slt, %broadcast_in_dim3A_12, %lt3A_30 : vector<8x1x1xi32>
    %select_n3A_32 = arith.select %lt3A_31, %broadcast_in_dim3A_19, %broadcast_in_dim3A_29 : vector<8x1x1xi1>, vector<8x1x1xi32>
    %eq3A_33 = vector.broadcast %select_n3A_32 : vector<8x1x1xi32> to vector<8x64x1xi32>
    %eq3A_34 = arith.cmpi eq, %iota3A_9, %eq3A_33 : vector<8x64x1xi32>
    %convert_element_type3A = arith.extui %eq3A_34 : vector<8x64x1xi1> to vector<8x64x1xi32>
    %convert_element_type3A_35 = arith.sitofp %convert_element_type3A : vector<8x64x1xi32> to vector<8x64x1xf32>
    %convert_element_type3A_36 = arith.sitofp %broadcast_in_dim3A_6 : vector<8x64x1xi32> to vector<8x64x1xf32>
    %neg3A = arith.constant 0.000000e+00 : f32
    %neg3A_37 = vector.broadcast %neg3A : f32 to vector<8x64x1xf32>
    %neg3A_38 = arith.subf %neg3A_37, %convert_element_type3A_36 : vector<8x64x1xf32>
    %div3A = arith.constant 2.000000e-01 : f32
    %div3A_39 = vector.broadcast %div3A : f32 to vector<8x64x1xf32>
    %div3A_40 = arith.divf %neg3A_38, %div3A_39 : vector<8x64x1xf32>
    %reduce_max3A_41 = arith.constant dense<0xFF800000> : vector<8x1xf32>
    %reduce_max3A_42 = vector.multi_reduction <maximumf>, %div3A_40, %reduce_max3A_41 [1] : vector<8x64x1xf32> to vector<8x1xf32>
    %broadcast_in_dim3A_43 = vector.shape_cast %reduce_max3A_42 : vector<8x1xf32> to vector<8x1x1xf32>
    %sub3A = vector.broadcast %broadcast_in_dim3A_43 : vector<8x1x1xf32> to vector<8x64x1xf32>
    %sub3A_44 = arith.subf %div3A_40, %sub3A : vector<8x64x1xf32>
    %exp3A = math.exp %sub3A_44 : vector<8x64x1xf32>
    %reduce_sum3A_45 = arith.constant dense<0.000000e+00> : vector<8x1xf32>
    %reduce_sum3A_46 = vector.multi_reduction <add>, %exp3A, %reduce_sum3A_45 [1] : vector<8x64x1xf32> to vector<8x1xf32>
    %broadcast_in_dim3A_47 = vector.shape_cast %reduce_sum3A_46 : vector<8x1xf32> to vector<8x1x1xf32>
    %div3A_48 = vector.broadcast %broadcast_in_dim3A_47 : vector<8x1x1xf32> to vector<8x64x1xf32>
    %div3A_49 = arith.divf %exp3A, %div3A_48 : vector<8x64x1xf32>
    %sub3A_50 = arith.subf %convert_element_type3A_35, %div3A_49 : vector<8x64x1xf32>
    %add3A = arith.addf %sub3A_50, %div3A_49 : vector<8x64x1xf32>
    %swap3A = arith.constant 0 : index
    %swap3A_51 = arith.constant 0 : index
    %swap3A_52 = arith.constant 0 : index
    %swap3A_53 = vector.load %arg2[%swap3A, %swap3A_51, %swap3A_52] : memref<8x1x1xi32, #tpu.memory_space<vmem>>, vector<8x1x1xi32>
    tpu.vector_store %arg2[%swap3A, %swap3A_51, %swap3A_52], %select_n3A_32 {strides = array<i32>} : memref<8x1x1xi32, #tpu.memory_space<vmem>>, vector<8x1x1xi32>,
    %swap3A_54 = arith.constant 0 : index
    %swap3A_55 = arith.constant 0 : index
    %swap3A_56 = arith.constant 0 : index
    %swap3A_57 = vector.load %arg3[%swap3A_54, %swap3A_55, %swap3A_56] : memref<8x64x1xf32, #tpu.memory_space<vmem>>, vector<8x64x1xf32>
    tpu.vector_store %arg3[%swap3A_54, %swap3A_55, %swap3A_56], %add3A {strides = array<i32>} : memref<8x64x1xf32, #tpu.memory_space<vmem>>, vector<8x64x1xf32>,
    %mul3A = vector.broadcast %add3A : vector<8x64x1xf32> to vector<8x64x4096xf32>
    %mul3A_58 = arith.mulf %get3A_2, %mul3A : vector<8x64x4096xf32>
    %reduce_sum3A_59 = arith.constant dense<0.000000e+00> : vector<8x4096xf32>
    %reduce_sum3A_60 = vector.multi_reduction <add>, %mul3A_58, %reduce_sum3A_59 [1] : vector<8x64x4096xf32> to vector<8x4096xf32>
    %broadcast_in_dim3A_61 = vector.shape_cast %reduce_sum3A_60 : vector<8x4096xf32> to vector<8x1x4096xf32>
    %swap3A_62 = arith.constant 0 : index
    %swap3A_63 = arith.constant 0 : index
    %swap3A_64 = arith.constant 0 : index
    %swap3A_65 = vector.load %arg4[%swap3A_62, %swap3A_63, %swap3A_64] : memref<8x1x4096xf32, #tpu.memory_space<vmem>>, vector<8x1x4096xf32>
    tpu.vector_store %arg4[%swap3A_62, %swap3A_63, %swap3A_64], %broadcast_in_dim3A_61 {strides = array<i32>} : memref<8x1x4096xf32, #tpu.memory_space<vmem>>, vector<8x1x4096xf32>,
    return
  }
  func.func @transform_0(%arg0: i32) -> (i32, i32, i32) {
    %c0_i32 = arith.constant 0 : i32
    %c0_i32_0 = arith.constant 0 : i32
    %c0_i32_1 = arith.constant 0 : i32
    return %arg0, %c0_i32, %c0_i32_0 : i32, i32, i32
  }
  func.func @transform_1(%arg0: i32) -> (i32, i32, i32) {
    %c0_i32 = arith.constant 0 : i32
    %c0_i32_0 = arith.constant 0 : i32
    %c0_i32_1 = arith.constant 0 : i32
    return %arg0, %c0_i32, %c0_i32_0 : i32, i32, i32
  }
  func.func @transform_2(%arg0: i32) -> (i32, i32, i32) {
    %c0_i32 = arith.constant 0 : i32
    %c0_i32_0 = arith.constant 0 : i32
    %c0_i32_1 = arith.constant 0 : i32
    return %arg0, %c0_i32, %c0_i32_0 : i32, i32, i32
  }
  func.func @transform_3(%arg0: i32) -> (i32, i32, i32) {
    %c0_i32 = arith.constant 0 : i32
    %c0_i32_0 = arith.constant 0 : i32
    %c0_i32_1 = arith.constant 0 : i32
    return %arg0, %c0_i32, %c0_i32_0 : i32, i32, i32
  }
}

module attributes {stable_mosaic.version = 14 : i64} {
  func.func @_finish_b_body(%arg0: i32, %arg1: memref<64xi32, #tpu.memory_space<smem>>, %arg2: memref<1x1x4096xf32, #tpu.memory_space<vmem>>, %arg3: memref<8x4096xf32, #tpu.memory_space<vmem>>, %arg4: memref<8x4096xf32, #tpu.memory_space<vmem>>) attributes {dimension_semantics = [#tpu.dimension_semantics<arbitrary>], iteration_bounds = array<i64: 32>, scalar_prefetch = 1 : i64, scratch_operands = 0 : i64, tpu.core_type = #tpu.core_type<tc>, window_params = [{transform_indices = @transform_0, window_bounds = array<i64: 1, 1, 4096>}, {transform_indices = @transform_1, window_bounds = array<i64: 8, 4096>}, {transform_indices = @transform_2, window_bounds = array<i64: 8, 4096>}]} {
    %add3A = arith.constant 32 : i32
    %add3A_0 = arith.addi %arg0, %add3A : i32
    %get3A = arith.index_cast %add3A_0 : i32 to index
    %get3A_1 = memref.load %arg1[%get3A] : memref<64xi32, #tpu.memory_space<smem>>
    %jit3A = arith.constant 8 : i32
    %eq3A = arith.constant 0 : i32
    %eq3A_2 = arith.cmpi eq, %jit3A, %eq3A : i32
    %jit3A_3 = arith.constant 1 : i32
    %select_n3A = arith.select %eq3A_2, %jit3A_3, %jit3A : i32
    %rem3A = arith.remsi %get3A_1, %select_n3A : i32
    %ne3A = arith.constant 0 : i32
    %ne3A_4 = arith.cmpi ne, %rem3A, %ne3A : i32
    %lt3A = arith.constant 0 : i32
    %lt3A_5 = arith.cmpi slt, %rem3A, %lt3A : i32
    %lt3A_6 = arith.constant 0 : i32
    %lt3A_7 = arith.cmpi slt, %select_n3A, %lt3A_6 : i32
    %ne3A_8 = arith.xori %lt3A_5, %lt3A_7 : i1
    %and3A = arith.andi %ne3A_8, %ne3A_4 : i1
    %add3A_9 = arith.addi %rem3A, %select_n3A : i32
    %select_n3A_10 = arith.select %and3A, %add3A_9, %rem3A : i32
    %iota3A = tpu.iota {dimensions = array<i32: 0>} : vector<8x4096xi32>
    %get3A_11 = arith.constant 0 : index
    %get3A_12 = arith.constant 0 : index
    %get3A_13 = arith.constant 0 : index
    %get3A_14 = vector.load %arg2[%get3A_11, %get3A_12, %get3A_13] : memref<1x1x4096xf32, #tpu.memory_space<vmem>>, vector<1x1x4096xf32>
    %get3A_15 = vector.shape_cast %get3A_14 : vector<1x1x4096xf32> to vector<1x4096xf32>
    %eq3A_16 = vector.broadcast %select_n3A_10 : i32 to vector<8x4096xi32>
    %eq3A_17 = arith.cmpi eq, %iota3A, %eq3A_16 : vector<8x4096xi32>
    %get3A_18 = arith.constant 0 : index
    %get3A_19 = arith.constant 0 : index
    %get3A_20 = vector.load %arg3[%get3A_18, %get3A_19] : memref<8x4096xf32, #tpu.memory_space<vmem>>, vector<8x4096xf32>
    %broadcast_in_dim3A = vector.shape_cast %get3A_15 : vector<1x4096xf32> to vector<1x4096xf32>
    %broadcast_in_dim3A_21 = vector.broadcast %broadcast_in_dim3A : vector<1x4096xf32> to vector<8x4096xf32>
    %select_n3A_22 = arith.select %eq3A_17, %broadcast_in_dim3A_21, %get3A_20 : vector<8x4096xi1>, vector<8x4096xf32>
    %swap3A = arith.constant 0 : index
    %swap3A_23 = arith.constant 0 : index
    %swap3A_24 = vector.load %arg4[%swap3A, %swap3A_23] : memref<8x4096xf32, #tpu.memory_space<vmem>>, vector<8x4096xf32>
    tpu.vector_store %arg4[%swap3A, %swap3A_23], %select_n3A_22 {strides = array<i32>} : memref<8x4096xf32, #tpu.memory_space<vmem>>, vector<8x4096xf32>,
    return
  }
  func.func @transform_0(%arg0: i32, %arg1: memref<64xi32, #tpu.memory_space<smem>>) -> (i32, i32, i32) {
    %add3A = arith.constant 32 : i32
    %add3A_0 = arith.addi %arg0, %add3A : i32
    %c0_i32 = arith.constant 0 : i32
    %c0_i32_1 = arith.constant 0 : i32
    %c0_i32_2 = arith.constant 0 : i32
    return %add3A_0, %c0_i32, %c0_i32_1 : i32, i32, i32
  }
  func.func @transform_1(%arg0: i32, %arg1: memref<64xi32, #tpu.memory_space<smem>>) -> (i32, i32) {
    %add3A = arith.constant 32 : i32
    %add3A_0 = arith.addi %arg0, %add3A : i32
    %mul3A = arith.constant 64 : i32
    %mul3A_1 = arith.muli %add3A_0, %mul3A : i32
    %add3A_2 = arith.constant 32 : i32
    %add3A_3 = arith.addi %arg0, %add3A_2 : i32
    %get3A = arith.index_cast %add3A_3 : i32 to index
    %get3A_4 = memref.load %arg1[%get3A] : memref<64xi32, #tpu.memory_space<smem>>
    %add3A_5 = arith.addi %mul3A_1, %get3A_4 : i32
    %jit3A = arith.constant 8 : i32
    %div3A = arith.divsi %add3A_5, %jit3A : i32
    %sign3A = arith.constant 0 : i32
    %sign3A_6 = arith.cmpi sgt, %add3A_5, %sign3A : i32
    %sign3A_7 = arith.extui %sign3A_6 : i1 to i32
    %sign3A_8 = arith.constant 0 : i32
    %sign3A_9 = arith.cmpi slt, %add3A_5, %sign3A_8 : i32
    %sign3A_10 = arith.extui %sign3A_9 : i1 to i32
    %sign3A_11 = arith.subi %sign3A_7, %sign3A_10 : i32
    %sign3A_12 = arith.constant 0 : i32
    %sign3A_13 = arith.cmpi sgt, %jit3A, %sign3A_12 : i32
    %sign3A_14 = arith.extui %sign3A_13 : i1 to i32
    %sign3A_15 = arith.constant 0 : i32
    %sign3A_16 = arith.cmpi slt, %jit3A, %sign3A_15 : i32
    %sign3A_17 = arith.extui %sign3A_16 : i1 to i32
    %sign3A_18 = arith.subi %sign3A_14, %sign3A_17 : i32
    %ne3A = arith.cmpi ne, %sign3A_11, %sign3A_18 : i32
    %rem3A = arith.remsi %add3A_5, %jit3A : i32
    %ne3A_19 = arith.constant 0 : i32
    %ne3A_20 = arith.cmpi ne, %rem3A, %ne3A_19 : i32
    %and3A = arith.andi %ne3A, %ne3A_20 : i1
    %sub3A = arith.constant 1 : i32
    %sub3A_21 = arith.subi %div3A, %sub3A : i32
    %select_n3A = arith.select %and3A, %sub3A_21, %div3A : i32
    %c0_i32 = arith.constant 0 : i32
    %c0_i32_22 = arith.constant 0 : i32
    return %select_n3A, %c0_i32 : i32, i32
  }
  func.func @transform_2(%arg0: i32, %arg1: memref<64xi32, #tpu.memory_space<smem>>) -> (i32, i32) {
    %add3A = arith.constant 32 : i32
    %add3A_0 = arith.addi %arg0, %add3A : i32
    %mul3A = arith.constant 64 : i32
    %mul3A_1 = arith.muli %add3A_0, %mul3A : i32
    %add3A_2 = arith.constant 32 : i32
    %add3A_3 = arith.addi %arg0, %add3A_2 : i32
    %get3A = arith.index_cast %add3A_3 : i32 to index
    %get3A_4 = memref.load %arg1[%get3A] : memref<64xi32, #tpu.memory_space<smem>>
    %add3A_5 = arith.addi %mul3A_1, %get3A_4 : i32
    %jit3A = arith.constant 8 : i32
    %div3A = arith.divsi %add3A_5, %jit3A : i32
    %sign3A = arith.constant 0 : i32
    %sign3A_6 = arith.cmpi sgt, %add3A_5, %sign3A : i32
    %sign3A_7 = arith.extui %sign3A_6 : i1 to i32
    %sign3A_8 = arith.constant 0 : i32
    %sign3A_9 = arith.cmpi slt, %add3A_5, %sign3A_8 : i32
    %sign3A_10 = arith.extui %sign3A_9 : i1 to i32
    %sign3A_11 = arith.subi %sign3A_7, %sign3A_10 : i32
    %sign3A_12 = arith.constant 0 : i32
    %sign3A_13 = arith.cmpi sgt, %jit3A, %sign3A_12 : i32
    %sign3A_14 = arith.extui %sign3A_13 : i1 to i32
    %sign3A_15 = arith.constant 0 : i32
    %sign3A_16 = arith.cmpi slt, %jit3A, %sign3A_15 : i32
    %sign3A_17 = arith.extui %sign3A_16 : i1 to i32
    %sign3A_18 = arith.subi %sign3A_14, %sign3A_17 : i32
    %ne3A = arith.cmpi ne, %sign3A_11, %sign3A_18 : i32
    %rem3A = arith.remsi %add3A_5, %jit3A : i32
    %ne3A_19 = arith.constant 0 : i32
    %ne3A_20 = arith.cmpi ne, %rem3A, %ne3A_19 : i32
    %and3A = arith.andi %ne3A, %ne3A_20 : i1
    %sub3A = arith.constant 1 : i32
    %sub3A_21 = arith.subi %div3A, %sub3A : i32
    %select_n3A = arith.select %and3A, %sub3A_21, %div3A : i32
    %c0_i32 = arith.constant 0 : i32
    %c0_i32_22 = arith.constant 0 : i32
    return %select_n3A, %c0_i32 : i32, i32
  }
}

</mosaic_0001>

<sc_bundles>
// kernel: kernel.6.cloned.1.call-start
scs
__scs_entry_jumppad:
0x0: {  	(pc) =	sbr.rel $0x88, $3  }
0x1: {  	(tag) =	ssettag $0x0;
	lr =	simm.s32 $0x1  }
0x2: {  	[smem:$0x3FA0] =	sst lr;
	_ =	strace $0xD0000000  }
0x3: {  	_ = 	snop  }
0x4: {  	_ = 	snop  }
0x5: {  	_ = 	snop  }
0x6: {  	_ = 	snop  }
0x7: {  	_ = 	snop  }
__scs_overlays_trampoline_lowered:
0x8: {  	[smem:$0x3FAF] =	sst s0  }
0x9: {  	[smem:$0x3FB0] =	sst s1  }
0xa: {  	[smem:$0x3FB1] =	sst s2  }
0xb: {  	[smem:$0x3FB2] =	sst s3  }
0xc: {  	[smem:$0x3FB3] =	sst s4  }
0xd: {  	[smem:$0x3FB4] =	sst s5  }
0xe: {  	[smem:$0x3FB5] =	sst s6  }
0xf: {  	[smem:$0x3FB6] =	sst s7  }
0x10: {  	[smem:$0x3FB7] =	sst s8  }
0x11: {  	[smem:$0x3FB8] =	sst s9;
	s0 =	simm.s32 @!p0 $0x0  }
0x12: {  	s1 =	sld [smem:$0x3F9E];
	s0 =	simm.s32 @p0 $0x1  }
0x13: {  	[smem:$0x3FB9] =	sst s0;
	s0 =	simm.s32 @!p1 $0x0  }
0x14: {  	s2 =	sld [smem:$0x3F9D];
	s0 =	simm.s32 @p1 $0x1  }
0x15: {  	[smem:$0x3FBA] =	sst s0;
	s0 =	simm.s32 @!p2 $0x0  }
0x16: {  	s3 =	sld [smem:$0x3FDB];
	s0 =	simm.s32 @p2 $0x1  }
0x17: {  	s4 =	simm.s32 $0x1BF5;
	[smem:$0x3FBC] =	sst s0  }
0x18: {  	s0 =	sld [smem:$0x3F9F];
	_ =	swait.ge [sflag:s4], $0x0  }
0x19: {  	s7 =	sld [smem:$0x3FA0]  }
0x1a: {  	s8 =	sadd.s32 $0xFFFFE003, lr  }
0x1b: {  	s9 =	sadd.s32 $0xFFFFFEF7, lr;
	s5 =	simm.s32 $0xFFFFFFFF;
	p2 =	slt.u32 s8, $0xFFFFF086  }
0x1c: {  	p1 =	slt.u32 s9, $0xF7A;
	s5 =	simm.s32 @!p2 $0x0  }
0x1d: {  	s5 =	simm.s32 @p1 $0x1;
	p0 =	seq.s32 s7, s2  }
0x1e: {  	s7 =	smul.u32 @!p0 $0xF7A, s2;
	p2 =	seq.s32 @!p0 s5, $0x0  }
0x1f: {  	s9 =	smul.u32 $0xF7A, s1;
	s8 =	simm.s32 @!p0 $0x1BF5;
	p2 =	por !p2, p0  }
0x20: {  	[sflag:s8] =	ssyncset.s32 @!p0 $0xFFFFF086;
	s6 =	sadd.s32 @!p0 s3, s7;
	s7 =	simm.s32 @!p0 $0x108  }
0x21: {  	s3 =	sadd.s32 s3, s9;
	s6 =	sadd.s32 @!p0 $0x88, s6;
	s7 =	simm.s32 @p2 $0x1082  }
0x22: {  	[simem:s7], [sflag:s8] =	dma.local @!p0 [hbm:s6], $0xF7A  }
0x23: {  	s9 =	sor.u32 $0xD0000000, s2;
	s6 =	simm.s32 $0x108;
	_ =	swait.ge @!p0 [sflag:s8], $0x0  }
0x24: {  	s3 =	sadd.s32 $0x88, s3;
	s6 =	simm.s32 @!p1 $0x1082;
	[sflag:s4] =	ssyncset.s32 $0xFFFFF086  }
0x25: {  	[simem:s6], [sflag:s4] =	dma.local [hbm:s3], $0xF7A  }
0x26: {  	[smem:$0x3FA0] =	sst s1;
	(tag) =	ssettag s2;
	_ =	strace s9  }
0x27: {  	s1 =	sld [smem:$0x3FB0]  }
0x28: {  	s2 =	sld [smem:$0x3FB1]  }
0x29: {  	s4 =	sld [smem:$0x3FB3]  }
0x2a: {  	p0 =	seq.s32 s5, $0x0;
	s5 =	sld [smem:$0x3FB4]  }
0x2b: {  	s6 =	sld [smem:$0x3FB5]  }
0x2c: {  	s7 =	sld [smem:$0x3FB6]  }
0x2d: {  	s3 =	simm.s32 $0x108;
	s8 =	sld [smem:$0x3FB7]  }
0x2e: {  	s3 =	simm.s32 @!p0 $0x1082;
	s9 =	sld [smem:$0x3FB8]  }
0x2f: {  	lr =	sadd.s32 s0, s3;
	s0 =	sld [smem:$0x3FAF]  }
0x30: {  	s3 =	sld [smem:$0x3FB2]  }
0x31: {  	[smem:$0x3FBB] =	sst s10  }
0x32: {  	s10 =	sld [smem:$0x3FB9];
	_ =	sdelay $0x3  }
0x33: {  	p0 =	seq.s32 s10, $0x1;
	s10 =	sld [smem:$0x3FBB];
	_ =	sdelay $0x3  }
0x34: {  	[smem:$0x3FBB] =	sst s10  }
0x35: {  	s10 =	sld [smem:$0x3FBA];
	_ =	sdelay $0x3  }
0x36: {  	p1 =	seq.s32 s10, $0x1;
	s10 =	sld [smem:$0x3FBB];
	_ =	sdelay $0x3  }
0x37: {  	[smem:$0x3FBB] =	sst s10  }
0x38: {  	s10 =	sld [smem:$0x3FBC]  }
0x39: {  	_ = 	snop;
	(pc) =	sbr.ind lr, $3  }
0x3a: {  	_ = 	snop  }
0x3b: {  	_ = 	snop  }
0x3c: {  	p2 =	seq.s32 s10, $0x1;
	s10 =	sld [smem:$0x3FBB]  }
0x3d: {  	_ =	shalt  }
0x3e: {  	_ =	shalt  }
0x3f: {  	_ =	shalt  }
0x40: {  	_ =	shalt  }
0x41: {  	_ =	shalt  }
0x42: {  	_ =	shalt  }
0x43: {  	_ =	shalt  }
0x44: {  	_ =	shalt  }
0x45: {  	_ =	shalt  }
0x46: {  	_ =	shalt  }
0x47: {  	_ =	shalt  }
0x48: {  	_ =	shalt  }
0x49: {  	_ =	shalt  }
0x4a: {  	_ =	shalt  }
0x4b: {  	_ =	shalt  }
0x4c: {  	_ =	shalt  }
0x4d: {  	_ =	shalt  }
0x4e: {  	_ =	shalt  }
0x4f: {  	_ =	shalt  }
0x50: {  	_ =	shalt  }
0x51: {  	_ =	shalt  }
0x52: {  	_ =	shalt  }
0x53: {  	_ =	shalt  }
0x54: {  	_ =	shalt  }
0x55: {  	_ =	shalt  }
0x56: {  	_ =	shalt  }
0x57: {  	_ =	shalt  }
0x58: {  	_ =	shalt  }
0x59: {  	_ =	shalt  }
0x5a: {  	_ =	shalt  }
0x5b: {  	_ =	shalt  }
0x5c: {  	_ =	shalt  }
0x5d: {  	_ =	shalt  }
0x5e: {  	_ =	shalt  }
0x5f: {  	_ =	shalt  }
0x60: {  	_ =	shalt  }
0x61: {  	_ =	shalt  }
0x62: {  	_ =	shalt  }
0x63: {  	_ =	shalt  }
0x64: {  	_ =	shalt  }
0x65: {  	_ =	shalt  }
0x66: {  	_ =	shalt  }
0x67: {  	_ =	shalt  }
0x68: {  	_ =	shalt  }
0x69: {  	_ =	shalt  }
0x6a: {  	_ =	shalt  }
0x6b: {  	_ =	shalt  }
0x6c: {  	_ =	shalt  }
0x6d: {  	_ =	shalt  }
0x6e: {  	_ =	shalt  }
0x6f: {  	_ =	shalt  }
0x70: {  	_ =	shalt  }
0x71: {  	_ =	shalt  }
0x72: {  	_ =	shalt  }
0x73: {  	_ =	shalt  }
0x74: {  	_ =	shalt  }
0x75: {  	_ =	shalt  }
0x76: {  	_ =	shalt  }
0x77: {  	_ =	shalt  }
0x78: {  	_ =	shalt  }
0x79: {  	_ =	shalt  }
0x7a: {  	_ =	shalt  }
0x7b: {  	_ =	shalt  }
0x7c: {  	_ =	shalt  }
0x7d: {  	_ =	shalt  }
0x7e: {  	_ =	shalt  }
0x7f: {  	_ =	shalt  }
0x80: {  	_ =	shalt  }
0x81: {  	_ =	shalt  }
0x82: {  	_ =	shalt  }
0x83: {  	_ =	shalt  }
0x84: {  	_ =	shalt  }
0x85: {  	_ =	shalt  }
0x86: {  	_ =	shalt  }
0x87: {  	_ =	shalt  }
.Lfunc_end0:
.L_simem_size_0:
called_computation_lowered:
.L_overlay_start_0:
0x88: {  	s2 =	sld [smem:$0x3FD9]  }
0x89: {  	s3 =	sld [smem:$0x3FFE];
	_ =	sdelay $0x1  }
0x8a: {  	s1 =	srdreg.scid  }
0x8b: {  	s0 =	sand.u32 $0x1, s1  }
0x8c: {  	s15 =	sshll.u32 s0, $0xA;
	s2 =	sadd.s32 s3, s2  }
0x8d: {  	s2 =	sadd.s32 s2, s15  }
0x8e: {  	[smem:$0x3FC7] =	sst s2  }
0x8f: {  	_ = 	snop  }
0x90: {  	s2 =	sld [smem:$0x3FD0];
	_ =	sdelay $0x2  }
0x91: {  	s16 =	simm.s32 $0xA;
	s4 =	simm.s32 $0x10  }
0x92: {  	[smem:s4], [sflag:s16] =	dma.local [hbm:s2], $0x1  }
0x93: {  	_ =	swait.eq [sflag:s16], $0x1  }
0x94: {  	[sflag:s16] =	ssyncset.done $0x0  }
0x95: {  	[sflag:s16] =	ssyncadd.s32 $0xFFFFFFFF  }
0x96: {  	s17 =	sld [smem:$0x12];
	(tm) =	ssettm $0x1  }
0x97: {  	s18 =	sld [smem:$0x3FFB];
	_ =	sdelay $0x3  }
0x98: {  	_ =	strace s18  }
0x99: {  	s3 =	sld [smem:$0x3FFC];
	_ =	sdelay $0x3  }
0x9a: {  	_ =	strace s3  }
0x9b: {  	s3 =	sld [smem:$0x3FFD];
	_ =	sdelay $0x3  }
0x9c: {  	_ =	strace s3  }
0x9d: {  	_ =	strace $0x8FFFFFFF  }
0x9e: {  	s19 =	sld [smem:$0x3FDB];
	_ =	sdelay $0x1  }
0x9f: {  	s20 =	simm.s32 $_scs_section_size  }
0xa0: {  	s5 =	simm.s32 $_size__tile_overlayer_lowered;
	s6 =	simm.s32 $_tile_overlayer_lowered  }
0xa1: {  	s23 =	simm.s32 $0x1BFF;
	s22 =	sshll.u32 s6, $0x1;
	s3 =	sadd.s32 s20, s19  }
0xa2: {  	s7 =	simm.s32 $0x0;
	s21 =	sshll.u32 s5, $0x1;
	s5 =	sadd.s32 s22, s3  }
0xa3: {  	[timem:s7], [sflag:s23] =	dma.local [hbm:s5], s21  }
0xa4: {  	_ =	swait.ge [sflag:s23], s21  }
0xa5: {  	s4 =	ssub.s32 $0x0, s21;
	[sflag:s23] =	ssyncset.done $0x0  }
0xa6: {  	[sflag:s23] =	ssyncadd.s32 s4;
	_ =	sdelay $0x1  }
0xa7: {  	s24 =	simm.s32 $0x1B8B  }
0xa8: {  	_ =	swait.ge [sflag:s24], $0x1  }
0xa9: {  	[sflag:s24] =	ssyncset.done $0x0  }
0xaa: {  	s25 =	simm.s32 $0x1B8E;
	[sflag:s24] =	ssyncadd.s32 $0xFFFFFFFF  }
0xab: {  	s26 =	simm.s32 $execute0_lowered;
	[smem:$0x3FD2] =	sst s25  }
0xac: {  	s4 =	sshll.u32 s26, $0x1;
	_ =	strace $0x80000046;
	[dreg:$0x1] =	wrdreg $0xFFFFFFFF  }
0xad: {  	s28 =	simm.s32 $_size_execute0_lowered;
	s3 =	sadd.s32 s3, s4;
	[dreg:$0x0] =	wrdreg $0x0  }
0xae: {  	s4 =	sshll.u32 s28, $0x1;
	[dreg:$0x2] =	wrdreg s3  }
0xaf: {  	[dreg:$0x3] =	wrdreg s4  }
0xb0: {  	[dreg:$0x4] =	wrdreg $0xC0  }
0xb1: {  	_ =	task [dreg:s7], $0x5FFFF  }
0xb2: {  	[dreg:$0x1] =	wrdreg $0xFFFFFFFF  }
0xb3: {  	[dreg:$0x0] =	wrdreg $0x60  }
0xb4: {  	[dreg:$0x2] =	wrdreg s17  }
0xb5: {  	[dreg:$0x3] =	wrdreg $0x9  }
0xb6: {  	_ =	task.clear_ibuf [dreg:s7], $0x4FFFF;
	_ =	strace $0x90000046  }
0xb7: {  	s29 =	simm.s32 $0x9;
	_ =	strace $0x80000048  }
0xb8: {  	_ =	swait.ge [sflag:s29], $0x1  }
0xb9: {  	[sflag:s29] =	ssyncadd.s32 $0xFFFFFFFF  }
0xba: {  	_ =	strace $0x90000048  }
0xbb: {  	_ =	sfence  }
0xbc: {  	s30 =	sld [smem:$0x0];
	_ =	sdelay $0x2  }
0xbd: {  	s31 =	sshll.u32 s1, $0xD;
	s1 =	sshrl.u32 s1, $0x2  }
0xbe: {  	s3 =	sand.u32 $0x4000, s31;
	s1 =	sadd.s32 s1, s30  }
0xbf: {  	s0 =	sor.u32 s3, s0;
	s1 =	sshll.u32 s1, $0x11  }
0xc0: {  	s0 =	sor.u32 s1, s0  }
0xc1: {  	s0 =	sadd.s32 $0x8F2B, s0  }
0xc2: {  	[sflag:s0] =	ssyncadd.remote.s32 $0x1  }
0xc3: {  	_ =	sfence.sel $0xFFFF  }
0xc4: {  	[dreg:$0x0] =	wrdreg $0xFFFFFFFF;
	(pc) =	sbr.abs _section_cstart, $3  }
0xc5: {  	[dreg:$0x1] =	wrdreg $0xFFFFFFFF  }
0xc6: {  	_ =	task.clear_ibuf [dreg:s7], $0x2FFFF;
	_ =	strace $0x9FFFFFFF  }
0xc7: {  	(tm) =	ssettm $0x7FFFFFFF  }
tec
execute0_lowered:
.L_overlay_start_1:
0x0: {  	(tag) =	ssettag $0x1  }
0x1: {  	s3 =	rddreg [dreg:$0x0];
	s2 =	srdreg.scid  }
0x2: {  	s0 =	rddreg [dreg:$0x1];
	s1 =	stileid.u32;
	s12 =	simm.s32 $0x1  }
0x3: {  	s13 =	simm.s32 $0x0;
	s2 =	sand.u32 $0x1, s2;
	s6 =	sshll.u32 s1, $0xF  }
0x4: {  	s4 =	ssub.s32 $0x2, s2;
	s5 =	sshll.u32 s2, $0x13;
	s2 =	simm.s32 $0x0  }
0x5: {  	s7 =	sshrl.u32 s4, $0x1;
	s5 =	sor.u32 s6, s5;
	[smem:$0x7FF] =	sst s2  }
0x6: {  	s4 =	ssub.s32 s4, s7;
	s11 =	sadd.s32 s5, s3;
	_ =	strace $0x80000047  }
0x7: {  	s3 =	smax.u32 s4, $0x1;
	s4 =	sadd.s32 $0x100000, s11;
	s5 =	sadd.s32 $0x101000, s11  }
0x8: {  	s6 =	sadd.s32 $0x102000, s11;
	s7 =	sadd.s32 $0x103000, s11;
	s8 =	sadd.s32 $0x104000, s11  }
0x9: {  	v0 =	vimm.f32 $0.0e+00;
	s9 =	sadd.s32 $0x105000, s11;
	s10 =	sadd.s32 $0x106000, s11;
	s11 =	sadd.s32 $0x107000, s11  }
.LBB2_1:
0xa: {  	s14 =	sand.u32 $0x70, s2;
	s15 =	sand.u32 $0x7C00, s2  }
0xb: {  	s14 =	sor.u32 s14, s15  }
0xc: {  	s16 =	simm.s32 $0x0;
	s15 =	simm.s32 $0x10;
	[tilespmem:s14+$0x0] =	vst v0  }
.LBB2_2:
0xd: {  	p0 =	sne.s32 s15, $0xFF0  }
.Ltmp0:
0xe: {  	_ = 	snop;
	(pc) =	sbr.rel @p0 .LBB2_2-.Ltmp0, $4  }
0xf: {  	s16 =	sadd.s32 $0x80, s16  }
0x10: {  	s14 =	sand.u32 $0x70, s15;
	s17 =	sand.u32 $0x7C00, s16  }
0x11: {  	s14 =	sor.u32 s14, s17  }
0x12: {  	s15 =	sadd.s32 $0x10, s15;
	[tilespmem:s14+$0x0] =	vst v0;
	s14 =	simm.s32 $0x0  }
0x13: {  	s15 =	sand.u32 $0x70, s14;
	s16 =	sand.u32 $0x7C00, s14  }
0x14: {  	s15 =	sor.u32 s15, s16  }
0x15: {  	s17 =	simm.s32 $0x0;
	s16 =	simm.s32 $0x10;
	[tilespmem:s15+$0x80] =	vst v0  }
.LBB2_4:
0x16: {  	p0 =	sne.s32 s16, $0xFF0  }
.Ltmp1:
0x17: {  	_ = 	snop;
	(pc) =	sbr.rel @p0 .LBB2_4-.Ltmp1, $4  }
0x18: {  	s17 =	sadd.s32 $0x80, s17  }
0x19: {  	s18 =	sand.u32 $0x70, s16;
	s19 =	sand.u32 $0x7C00, s17  }
0x1a: {  	s18 =	sor.u32 s18, s19  }
0x1b: {  	s16 =	sadd.s32 $0x10, s16;
	[tilespmem:s18+$0x80] =	vst v0  }
0x1c: {  	s16 =	simm.s32 $0x10;
	[tilespmem:s15+$0x100] =	vst v0  }
.LBB2_6:
0x1d: {  	p0 =	sne.s32 s16, $0xFF0  }
.Ltmp2:
0x1e: {  	_ = 	snop;
	(pc) =	sbr.rel @p0 .LBB2_6-.Ltmp2, $4  }
0x1f: {  	s14 =	sadd.s32 $0x80, s14  }
0x20: {  	s15 =	sand.u32 $0x70, s16;
	s17 =	sand.u32 $0x7C00, s14  }
0x21: {  	s15 =	sor.u32 s15, s17  }
0x22: {  	s16 =	sadd.s32 $0x10, s16;
	[tilespmem:s15+$0x100] =	vst v0;
	s15 =	simm.s32 $0x0  }
0x23: {  	s14 =	sand.u32 $0x70, s15;
	s16 =	sand.u32 $0x7C00, s15  }
0x24: {  	s14 =	sor.u32 s14, s16  }
0x25: {  	s17 =	simm.s32 $0x0;
	s16 =	simm.s32 $0x10;
	[tilespmem:s14+$0x180] =	vst v0  }
.LBB2_8:
0x26: {  	p0 =	sne.s32 s16, $0xFF0  }
.Ltmp3:
0x27: {  	_ = 	snop;
	(pc) =	sbr.rel @p0 .LBB2_8-.Ltmp3, $4  }
0x28: {  	s17 =	sadd.s32 $0x80, s17  }
0x29: {  	s18 =	sand.u32 $0x70, s16;
	s19 =	sand.u32 $0x7C00, s17  }
0x2a: {  	s18 =	sor.u32 s18, s19  }
0x2b: {  	s16 =	sadd.s32 $0x10, s16;
	[tilespmem:s18+$0x180] =	vst v0  }
0x2c: {  	s16 =	simm.s32 $0x10;
	[tilespmem:s14+$0x200] =	vst v0  }
.LBB2_10:
0x2d: {  	p0 =	sne.s32 s16, $0xFF0  }
.Ltmp4:
0x2e: {  	_ = 	snop;
	(pc) =	sbr.rel @p0 .LBB2_10-.Ltmp4, $4  }
0x2f: {  	s15 =	sadd.s32 $0x80, s15  }
0x30: {  	s14 =	sand.u32 $0x70, s16;
	s17 =	sand.u32 $0x7C00, s15  }
0x31: {  	s14 =	sor.u32 s14, s17  }
0x32: {  	s16 =	sadd.s32 $0x10, s16;
	[tilespmem:s14+$0x200] =	vst v0;
	s14 =	simm.s32 $0x0  }
0x33: {  	s15 =	sand.u32 $0x70, s14;
	s16 =	sand.u32 $0x7C00, s14  }
0x34: {  	s16 =	sor.u32 s15, s16  }
0x35: {  	s15 =	simm.s32 $0x10;
	[tilespmem:s16+$0x280] =	vst v0;
	s16 =	simm.s32 $0x0  }
.LBB2_12:
0x36: {  	p0 =	sne.s32 s15, $0xFF0  }
.Ltmp5:
0x37: {  	_ = 	snop;
	(pc) =	sbr.rel @p0 .LBB2_12-.Ltmp5, $4  }
0x38: {  	s16 =	sadd.s32 $0x80, s16  }
0x39: {  	s17 =	sand.u32 $0x70, s15;
	s18 =	sand.u32 $0x7C00, s16  }
0x3a: {  	s17 =	sor.u32 s17, s18  }
0x3b: {  	s15 =	sadd.s32 $0x10, s15;
	[tilespmem:s17+$0x280] =	vst v0  }
0x3c: {  	s15 =	simm.s32 $0x0  }
.LBB2_14:
0x3d: {  	p0 =	sne.s32 s15, $0xFF0  }
.Ltmp6:
0x3e: {  	_ = 	snop;
	(pc) =	sbr.rel @p0 .LBB2_14-.Ltmp6, $4  }
0x3f: {  	_ = 	snop  }
0x40: {  	s16 =	sand.u32 $0x70, s15;
	s17 =	sand.u32 $0x7C00, s14  }
0x41: {  	s16 =	sor.u32 s16, s17  }
0x42: {  	s14 =	sadd.s32 $0x80, s14;
	s15 =	sadd.s32 $0x10, s15;
	[tilespmem:s16+$0x300] =	vst v0  }
0x43: {  	s14 =	simm.s32 $0x0  }
0x44: {  	s15 =	sand.u32 $0x70, s14;
	s16 =	sand.u32 $0x7C00, s14  }
0x45: {  	s16 =	sor.u32 s15, s16  }
0x46: {  	s15 =	simm.s32 $0x10;
	[tilespmem:s16+$0x380] =	vst v0  }
.LBB2_16:
0x47: {  	p0 =	sne.s32 s15, $0xFF0  }
.Ltmp7:
0x48: {  	_ = 	snop;
	(pc) =	sbr.rel @p0 .LBB2_16-.Ltmp7, $4  }
0x49: {  	s14 =	sadd.s32 $0x80, s14  }
0x4a: {  	s16 =	sand.u32 $0x70, s15;
	s17 =	sand.u32 $0x7C00, s14  }
0x4b: {  	s16 =	sor.u32 s16, s17  }
0x4c: {  	s15 =	sadd.s32 $0x10, s15;
	[tilespmem:s16+$0x380] =	vst v0  }
0x4d: {  	[hbm4b:s4+s2] =	stream.linear.scatter [tilespmem:s2], [sflag:$0x1], $0x8000, $0x38;
	[tilespmem:$0x8000] =	vst v63  }
0x4e: {  	_ = 	snop  }
0x4f: {  	[hbm4b:s5+s2] =	stream.linear.scatter [tilespmem:s2], [sflag:$0x1], $0x8000, $0x38;
	[tilespmem:$0x8000] =	vst v63  }
0x50: {  	_ = 	snop  }
0x51: {  	[hbm4b:s6+s2] =	stream.linear.scatter [tilespmem:s2], [sflag:$0x1], $0x8000, $0x38;
	[tilespmem:$0x8000] =	vst v63  }
0x52: {  	_ = 	snop  }
0x53: {  	[hbm4b:s7+s2] =	stream.linear.scatter [tilespmem:s2], [sflag:$0x1], $0x8000, $0x38;
	[tilespmem:$0x8000] =	vst v63  }
0x54: {  	_ = 	snop  }
0x55: {  	[hbm4b:s8+s2] =	stream.linear.scatter [tilespmem:s2], [sflag:$0x1], $0x8000, $0x38;
	[tilespmem:$0x8000] =	vst v63  }
0x56: {  	_ = 	snop  }
0x57: {  	[hbm4b:s9+s2] =	stream.linear.scatter [tilespmem:s2], [sflag:$0x1], $0x8000, $0x38;
	[tilespmem:$0x8000] =	vst v63  }
0x58: {  	_ = 	snop  }
0x59: {  	[hbm4b:s10+s2] =	stream.linear.scatter [tilespmem:s2], [sflag:$0x1], $0x8000, $0x38;
	[tilespmem:$0x8000] =	vst v63  }
0x5a: {  	_ = 	snop  }
0x5b: {  	[hbm4b:s11+s2] =	stream.linear.scatter [tilespmem:s2], [sflag:$0x1], $0x8000, $0x38;
	[tilespmem:$0x8000] =	vst v63  }
0x5c: {  	_ =	swait.ge [sflag:s12], $0x8000  }
0x5d: {  	[sflag:s12] =	ssyncset.done $0x0  }
0x5e: {  	[sflag:s12] =	ssyncadd.s32 $0xFFFF8000  }
0x5f: {  	_ =	swait.ge [sflag:s12], $0x8000  }
0x60: {  	[sflag:s12] =	ssyncset.done $0x0  }
0x61: {  	[sflag:s12] =	ssyncadd.s32 $0xFFFF8000  }
0x62: {  	_ =	swait.ge [sflag:s12], $0x8000  }
0x63: {  	[sflag:s12] =	ssyncset.done $0x0  }
0x64: {  	[sflag:s12] =	ssyncadd.s32 $0xFFFF8000  }
0x65: {  	_ =	swait.ge [sflag:s12], $0x8000  }
0x66: {  	[sflag:s12] =	ssyncset.done $0x0  }
0x67: {  	[sflag:s12] =	ssyncadd.s32 $0xFFFF8000  }
0x68: {  	_ =	swait.ge [sflag:s12], $0x8000  }
0x69: {  	[sflag:s12] =	ssyncset.done $0x0  }
0x6a: {  	[sflag:s12] =	ssyncadd.s32 $0xFFFF8000  }
0x6b: {  	_ =	swait.ge [sflag:s12], $0x8000  }
0x6c: {  	[sflag:s12] =	ssyncset.done $0x0  }
0x6d: {  	s13 =	sadd.s32 $0x1, s13;
	[sflag:s12] =	ssyncadd.s32 $0xFFFF8000  }
0x6e: {  	p0 =	sne.s32 s13, s3;
	_ =	swait.ge [sflag:s12], $0x8000  }
.Ltmp8:
0x6f: {  	[sflag:s12] =	ssyncset.done $0x0;
	(pc) =	sbr.rel @p0 .LBB2_1-.Ltmp8, $4  }
0x70: {  	[sflag:s12] =	ssyncadd.s32 $0xFFFF8000  }
0x71: {  	_ =	swait.ge [sflag:s12], $0x8000  }
0x72: {  	[sflag:s12] =	ssyncset.done $0x0  }
0x73: {  	[sflag:s12] =	ssyncadd.s32 $0xFFFF8000  }
0x74: {  	_ =	sfence.sel $0x180000  }
0x75: {  	[bflag:$0x0] =	sbarrier.arrive $0xFFFF  }
0x76: {  	p0 =	sne.s32 s1, $0x0;
	_ =	strace $0x90000047  }
0x77: {  	s0 =	sadd.s32 @!p0 $0x100000, s0;
	[bflag:$0x2] =	sbarrier.arrive $0xFFFF  }
0x78: {  	[sflag:s0] =	ssyncadd.tile.s32 @!p0 $0x1;
	_ =	shalt  }
.Lfunc_end2:
_tile_overlayer_lowered:
.L_overlay_start_2:
0x79: {  	(tag) =	ssettag $0x2  }
0x7a: {  	s0 =	rddreg [dreg:$0x0];
	s2 =	stileid.u32  }
0x7b: {  	s1 =	rddreg [dreg:$0x1];
	p0 =	sne.s32 s2, $0x0  }
0x7c: {  	s3 =	rddreg [dreg:$0x2];
	[bflag:$0x3] =	sbarrier.arrive $0xFFFF;
	s2 =	simm.s32 @!p0 $0x1C02  }
0x7d: {  	[timem:s3], [sflag:s2] =	dma.local @!p0 [hbm:s0], s1  }
0x7e: {  	s0 =	simm.s32 @!p0 $0x2  }
0x7f: {  	_ =	swait.ge @!p0 [sflag:s0], s1  }
0x80: {  	s1 =	ssub.s32 @!p0 $0x0, s1;
	[sflag:s0] =	ssyncset.done @!p0 $0x0  }
0x81: {  	[sflag:s0] =	ssyncadd.s32 @!p0 s1  }
0x82: {  	[bflag:$0x3] =	sbarrier.arrive $0xFFFF  }
0x83: {  	_ =	shalt  }

</sc_bundles>
